<compile_context>
chip_gen: v7x
topology: tpu7x:2x2x1
jax: 0.10.2.dev20260603
libtpu: 0.0.44.dev20260713+nightly
codegen_flags: <defaults>
</compile_context>

<pallas_src>
import functools

import jax
import jax.numpy as jnp
from jax import lax
from jax.experimental import pallas as pl
from jax.experimental.pallas import tpu as pltpu, tpu_sc as plsc

BATCH = 16384
FEATS = 512
HORIZON = 24

_LOGIT_EPS = 18.420680743952367

_NC = 2
_NS = 16
_NW = _NC * _NS
_BPW = BATCH // _NW
_CHUNK = 128
_NCHUNK = _BPW // _CHUNK


@functools.cache
def _build_sc_gather():
    mesh = plsc.VectorSubcoreMesh(core_axis_name="c", subcore_axis_name="s")

    @functools.partial(
        pl.kernel,
        out_type=jax.ShapeDtypeStruct((2, BATCH), jnp.float32),
        mesh=mesh,
        scratch_types=[
            pltpu.VMEM((_NCHUNK, _CHUNK), jnp.int32),
            pltpu.VMEM((_BPW,), jnp.float32),
            pltpu.VMEM((_BPW,), jnp.float32),
            pltpu.SemaphoreType.DMA,
        ],
    )
    def _sc_gather(ids_hbm, a_hbm, b_hbm, ab_out, idx_v, av, bv, sem):
        wid = lax.axis_index("s") * _NC + lax.axis_index("c")
        base = wid * _BPW
        pltpu.sync_copy(ids_hbm.at[pl.ds(wid * _NCHUNK, _NCHUNK), :], idx_v)
        copies = []
        for j in range(_NCHUNK):
            sl = pl.ds(j * _CHUNK, _CHUNK)
            copies.append(pltpu.async_copy(a_hbm.at[idx_v.at[j]], av.at[sl], sem))
            copies.append(pltpu.async_copy(b_hbm.at[idx_v.at[j]], bv.at[sl], sem))
        for c in copies:
            c.wait()
        pltpu.sync_copy(av, ab_out.at[0, pl.ds(base, _BPW)])
        pltpu.sync_copy(bv, ab_out.at[1, pl.ds(base, _BPW)])

    return _sc_gather


def _tc_body(x_ref, wt_ref, bias_ref, ab_ref, calT_ref, probsT_ref):
    zT = jax.lax.dot_general(wt_ref[...], x_ref[...], (((1,), (1,)), ((), ())),
                             preferred_element_type=jnp.float32)
    zT = zT + bias_ref[...]
    probsT_ref[...] = 1.0 / (1.0 + jnp.exp(-zT))
    log_odds = jnp.clip(zT, -_LOGIT_EPS, _LOGIT_EPS)
    a = ab_ref[0:1, :]
    b = ab_ref[1:2, :]
    calT_ref[...] = 1.0 / (1.0 + jnp.exp(-(a * log_odds + b)))


def kernel(past_data, region_ids, W_base, b_base, region_a, region_b):
    flat = past_data.reshape(BATCH, FEATS)
    rid = region_ids.reshape(BATCH // _CHUNK, _CHUNK).astype(jnp.int32)
    ab = _build_sc_gather()(rid, region_a, region_b)

    blk = 4096
    calT, probsT = pl.pallas_call(
        _tc_body,
        grid=(BATCH // blk,),
        in_specs=[
            pl.BlockSpec((blk, FEATS), lambda i: (i, 0)),
            pl.BlockSpec((HORIZON, FEATS), lambda i: (0, 0)),
            pl.BlockSpec((HORIZON, 1), lambda i: (0, 0)),
            pl.BlockSpec((2, blk), lambda i: (0, i)),
        ],
        out_specs=[
            pl.BlockSpec((HORIZON, blk), lambda i: (0, i)),
            pl.BlockSpec((HORIZON, blk), lambda i: (0, i)),
        ],
        out_shape=[
            jax.ShapeDtypeStruct((HORIZON, BATCH), jnp.float32),
            jax.ShapeDtypeStruct((HORIZON, BATCH), jnp.float32),
        ],
        compiler_params=pltpu.CompilerParams(
            dimension_semantics=("parallel",),
        ),
    )(flat, W_base.T, b_base.reshape(HORIZON, 1), ab)
    return (calT.T, probsT.T)

# --- scband reference (transcript-rebuilt; emitter-appended) ---
"""Pipeline reference for scband-region-calibration-model-68384469287331 (READ-ONLY COPY).

The authoritative reference and input builder live on the scoring server;
editing this copy changes nothing except your own understanding.
"""

import jax, jax.numpy as jnp
import numpy as np

NUM_REGIONS = 100000
BATCH = 16384
CHANNELS = 8
TIME_STEPS = 64
HORIZON = 24


def setup_inputs(seed: int = 0) -> dict:
    key = jax.random.key(seed)
    k1, k2, k3, k4 = jax.random.split(key, 4)
    past_data = jax.random.normal(k1, (BATCH, CHANNELS, TIME_STEPS), dtype=jnp.float32)
    region_ids = jax.random.randint(k2, (BATCH, 1), 0, NUM_REGIONS, dtype=jnp.int64 if jax.config.jax_enable_x64 else jnp.int32)
    # Frozen base model: a simple linear head over flattened [C*T] -> forecast horizon
    W_base = jax.random.normal(k3, (CHANNELS * TIME_STEPS, HORIZON), dtype=jnp.float32) * 0.05
    b_base = jax.random.normal(k4, (HORIZON,), dtype=jnp.float32) * 0.05
    # Calibration parameters (as in nn.Parameter init: ones / zeros)
    region_a = jnp.ones((NUM_REGIONS,), dtype=jnp.float32)
    region_b = jnp.zeros((NUM_REGIONS,), dtype=jnp.float32)
    return {"past_data": past_data, "region_ids": region_ids, "W_base": W_base, "b_base": b_base, "region_a": region_a, "region_b": region_b}


def reference(past_data, region_ids, W_base, b_base, region_a, region_b):
    # base model forward under no_grad -> stop_gradient
    flat = past_data.reshape(past_data.shape[0], -1)
    base_logits = jax.lax.stop_gradient(flat @ W_base + b_base)
    base_probs = jax.nn.sigmoid(base_logits)
    epsilon = 1e-08
    base_probs_clipped = jnp.clip(base_probs, epsilon, 1 - epsilon)
    log_odds = jnp.log(base_probs_clipped / (1 - base_probs_clipped))
    rid = region_ids.squeeze()
    a = jnp.take(region_a, rid, axis=0)
    b = jnp.take(region_b, rid, axis=0)
    calibrated_logits = a[:, None] * log_odds + b[:, None]
    calibrated_probs = jax.nn.sigmoid(calibrated_logits)
    return (calibrated_probs, base_probs)

if __name__ == "__main__":
    import jax
    _d = setup_inputs()
    print(jax.jit(kernel)(*tuple(_d.values())))

</pallas_src>

<mosaic_0001>
#map = affine_map<(d0, d1) -> (0, 0)>
#map1 = affine_map<(d0, d1) -> (0)>
module attributes {stable_mosaic.version = 14 : i64} {
  func.func @_sc_gather(%arg0: i32, %arg1: i32, %arg2: memref<128x128xi32, #tpu.memory_space<hbm>>, %arg3: memref<100000xf32, #tpu.memory_space<hbm>>, %arg4: memref<100000xf32, #tpu.memory_space<hbm>>, %arg5: memref<2x16384xf32, #tpu.memory_space<hbm>>, %arg6: memref<4x128xi32, #tpu.memory_space<vmem>>, %arg7: memref<512xf32, #tpu.memory_space<vmem>>, %arg8: memref<512xf32, #tpu.memory_space<vmem>>, %arg9: memref<!tpu.dma_semaphore, #tpu.memory_space<semaphore_mem>>) attributes {dimension_semantics = [#tpu.dimension_semantics<core_parallel>, #tpu.dimension_semantics<subcore_parallel>], iteration_bounds = array<i64: 2, 16>, scalar_prefetch = 0 : i64, scratch_operands = 4 : i64, tpu.core_type = #tpu.core_type<sc_vector_subcore>, window_params = [{transform_indices = #map}, {transform_indices = #map1}, {transform_indices = #map1}, {transform_indices = #map}]} {
    %mul3A = arith.constant 2 : i32
    %mul3A_0 = arith.muli %arg1, %mul3A : i32
    %add3A = arith.addi %mul3A_0, %arg0 : i32
    %mul3A_1 = arith.constant 512 : i32
    %mul3A_2 = arith.muli %add3A, %mul3A_1 : i32
    %mul3A_3 = arith.constant 4 : i32
    %mul3A_4 = arith.muli %add3A, %mul3A_3 : i32
    "tpu.region"() ({
      %run_scoped3A_132 = tpu.sem_alloc : memref<!tpu.dma_semaphore, #tpu.memory_space<semaphore_mem>>
      %dma_start3A_133 = arith.constant 0 : i32
      %dma_start3A_134 = tpu.memref_slice %arg2[%mul3A_4, %dma_start3A_133] : memref<128x128xi32, #tpu.memory_space<hbm>> -> memref<4x128xi32, #tpu.memory_space<hbm>>
      %dma_start3A_135 = arith.constant 0 : i32
      %dma_start3A_136 = tpu.memref_slice %arg2[%mul3A_4, %dma_start3A_135] : memref<128x128xi32, #tpu.memory_space<hbm>> -> memref<4x128xi32, #tpu.memory_space<hbm>>
      tpu.enqueue_dma source(%dma_start3A_136 : memref<4x128xi32, #tpu.memory_space<hbm>>) target(%arg6 : memref<4x128xi32, #tpu.memory_space<vmem>>) target_semaphore(%run_scoped3A_132 : memref<!tpu.dma_semaphore, #tpu.memory_space<semaphore_mem>>)
      %dma_wait3A_137 = arith.constant 0 : i32
      %dma_wait3A_138 = tpu.memref_slice %arg2[%mul3A_4, %dma_wait3A_137] : memref<128x128xi32, #tpu.memory_space<hbm>> -> memref<4x128xi32, #tpu.memory_space<hbm>>
      %dma_wait3A_139 = arith.constant 0 : i32
      %dma_wait3A_140 = tpu.memref_slice %arg2[%mul3A_4, %dma_wait3A_139] : memref<128x128xi32, #tpu.memory_space<hbm>> -> memref<4x128xi32, #tpu.memory_space<hbm>>
      tpu.wait_dma2 semaphore(%run_scoped3A_132 : memref<!tpu.dma_semaphore, #tpu.memory_space<semaphore_mem>>) src(%dma_wait3A_140 : memref<4x128xi32, #tpu.memory_space<hbm>>) dst(%arg6 : memref<4x128xi32, #tpu.memory_space<vmem>>)
      tpu.yield
    }) : () -> ()
    %dma_start3A = arith.constant 0 : i32
    %dma_start3A_5 = arith.constant 0 : i32
    %dma_start3A_6 = tpu.memref_slice %arg7[%dma_start3A_5] : memref<512xf32, #tpu.memory_space<vmem>> -> memref<128xf32, #tpu.memory_space<vmem>>
    %dma_start3A_7 = arith.constant 0 : i32
    %dma_start3A_8 = tpu.memref_slice %arg6[%dma_start3A, %dma_start3A_7] : memref<4x128xi32, #tpu.memory_space<vmem>> -> memref<1x128xi32, #tpu.memory_space<vmem>>
    %dma_start3A_9 = tpu.memref_squeeze %dma_start3A_8 : memref<1x128xi32, #tpu.memory_space<vmem>> -> memref<128xi32, #tpu.memory_space<vmem>>
    %dma_start3A_10 = arith.constant 0 : i32
    %dma_start3A_11 = tpu.memref_slice %arg3[%dma_start3A_10] : memref<100000xf32, #tpu.memory_space<hbm>> -> memref<100000xf32, #tpu.memory_space<hbm>>
    tpu.enqueue_indirect_dma source(%dma_start3A_11 : memref<100000xf32, #tpu.memory_space<hbm>>) target(%dma_start3A_6 : memref<128xf32, #tpu.memory_space<vmem>>) offsets(%dma_start3A_9 : memref<128xi32, #tpu.memory_space<vmem>>) semaphore(%arg9 : memref<!tpu.dma_semaphore, #tpu.memory_space<semaphore_mem>>)
    %dma_start3A_12 = arith.constant 0 : i32
    %dma_start3A_13 = arith.constant 0 : i32
    %dma_start3A_14 = tpu.memref_slice %arg8[%dma_start3A_13] : memref<512xf32, #tpu.memory_space<vmem>> -> memref<128xf32, #tpu.memory_space<vmem>>
    %dma_start3A_15 = arith.constant 0 : i32
    %dma_start3A_16 = tpu.memref_slice %arg6[%dma_start3A_12, %dma_start3A_15] : memref<4x128xi32, #tpu.memory_space<vmem>> -> memref<1x128xi32, #tpu.memory_space<vmem>>
    %dma_start3A_17 = tpu.memref_squeeze %dma_start3A_16 : memref<1x128xi32, #tpu.memory_space<vmem>> -> memref<128xi32, #tpu.memory_space<vmem>>
    %dma_start3A_18 = arith.constant 0 : i32
    %dma_start3A_19 = tpu.memref_slice %arg4[%dma_start3A_18] : memref<100000xf32, #tpu.memory_space<hbm>> -> memref<100000xf32, #tpu.memory_space<hbm>>
    tpu.enqueue_indirect_dma source(%dma_start3A_19 : memref<100000xf32, #tpu.memory_space<hbm>>) target(%dma_start3A_14 : memref<128xf32, #tpu.memory_space<vmem>>) offsets(%dma_start3A_17 : memref<128xi32, #tpu.memory_space<vmem>>) semaphore(%arg9 : memref<!tpu.dma_semaphore, #tpu.memory_space<semaphore_mem>>)
    %dma_start3A_20 = arith.constant 1 : i32
    %dma_start3A_21 = arith.constant 128 : i32
    %dma_start3A_22 = tpu.memref_slice %arg7[%dma_start3A_21] : memref<512xf32, #tpu.memory_space<vmem>> -> memref<128xf32, #tpu.memory_space<vmem>>
    %dma_start3A_23 = arith.constant 0 : i32
    %dma_start3A_24 = tpu.memref_slice %arg6[%dma_start3A_20, %dma_start3A_23] : memref<4x128xi32, #tpu.memory_space<vmem>> -> memref<1x128xi32, #tpu.memory_space<vmem>>
    %dma_start3A_25 = tpu.memref_squeeze %dma_start3A_24 : memref<1x128xi32, #tpu.memory_space<vmem>> -> memref<128xi32, #tpu.memory_space<vmem>>
    %dma_start3A_26 = arith.constant 0 : i32
    %dma_start3A_27 = tpu.memref_slice %arg3[%dma_start3A_26] : memref<100000xf32, #tpu.memory_space<hbm>> -> memref<100000xf32, #tpu.memory_space<hbm>>
    tpu.enqueue_indirect_dma source(%dma_start3A_27 : memref<100000xf32, #tpu.memory_space<hbm>>) target(%dma_start3A_22 : memref<128xf32, #tpu.memory_space<vmem>>) offsets(%dma_start3A_25 : memref<128xi32, #tpu.memory_space<vmem>>) semaphore(%arg9 : memref<!tpu.dma_semaphore, #tpu.memory_space<semaphore_mem>>)
    %dma_start3A_28 = arith.constant 1 : i32
    %dma_start3A_29 = arith.constant 128 : i32
    %dma_start3A_30 = tpu.memref_slice %arg8[%dma_start3A_29] : memref<512xf32, #tpu.memory_space<vmem>> -> memref<128xf32, #tpu.memory_space<vmem>>
    %dma_start3A_31 = arith.constant 0 : i32
    %dma_start3A_32 = tpu.memref_slice %arg6[%dma_start3A_28, %dma_start3A_31] : memref<4x128xi32, #tpu.memory_space<vmem>> -> memref<1x128xi32, #tpu.memory_space<vmem>>
    %dma_start3A_33 = tpu.memref_squeeze %dma_start3A_32 : memref<1x128xi32, #tpu.memory_space<vmem>> -> memref<128xi32, #tpu.memory_space<vmem>>
    %dma_start3A_34 = arith.constant 0 : i32
    %dma_start3A_35 = tpu.memref_slice %arg4[%dma_start3A_34] : memref<100000xf32, #tpu.memory_space<hbm>> -> memref<100000xf32, #tpu.memory_space<hbm>>
    tpu.enqueue_indirect_dma source(%dma_start3A_35 : memref<100000xf32, #tpu.memory_space<hbm>>) target(%dma_start3A_30 : memref<128xf32, #tpu.memory_space<vmem>>) offsets(%dma_start3A_33 : memref<128xi32, #tpu.memory_space<vmem>>) semaphore(%arg9 : memref<!tpu.dma_semaphore, #tpu.memory_space<semaphore_mem>>)
    %dma_start3A_36 = arith.constant 2 : i32
    %dma_start3A_37 = arith.constant 256 : i32
    %dma_start3A_38 = tpu.memref_slice %arg7[%dma_start3A_37] : memref<512xf32, #tpu.memory_space<vmem>> -> memref<128xf32, #tpu.memory_space<vmem>>
    %dma_start3A_39 = arith.constant 0 : i32
    %dma_start3A_40 = tpu.memref_slice %arg6[%dma_start3A_36, %dma_start3A_39] : memref<4x128xi32, #tpu.memory_space<vmem>> -> memref<1x128xi32, #tpu.memory_space<vmem>>
    %dma_start3A_41 = tpu.memref_squeeze %dma_start3A_40 : memref<1x128xi32, #tpu.memory_space<vmem>> -> memref<128xi32, #tpu.memory_space<vmem>>
    %dma_start3A_42 = arith.constant 0 : i32
    %dma_start3A_43 = tpu.memref_slice %arg3[%dma_start3A_42] : memref<100000xf32, #tpu.memory_space<hbm>> -> memref<100000xf32, #tpu.memory_space<hbm>>
    tpu.enqueue_indirect_dma source(%dma_start3A_43 : memref<100000xf32, #tpu.memory_space<hbm>>) target(%dma_start3A_38 : memref<128xf32, #tpu.memory_space<vmem>>) offsets(%dma_start3A_41 : memref<128xi32, #tpu.memory_space<vmem>>) semaphore(%arg9 : memref<!tpu.dma_semaphore, #tpu.memory_space<semaphore_mem>>)
    %dma_start3A_44 = arith.constant 2 : i32
    %dma_start3A_45 = arith.constant 256 : i32
    %dma_start3A_46 = tpu.memref_slice %arg8[%dma_start3A_45] : memref<512xf32, #tpu.memory_space<vmem>> -> memref<128xf32, #tpu.memory_space<vmem>>
    %dma_start3A_47 = arith.constant 0 : i32
    %dma_start3A_48 = tpu.memref_slice %arg6[%dma_start3A_44, %dma_start3A_47] : memref<4x128xi32, #tpu.memory_space<vmem>> -> memref<1x128xi32, #tpu.memory_space<vmem>>
    %dma_start3A_49 = tpu.memref_squeeze %dma_start3A_48 : memref<1x128xi32, #tpu.memory_space<vmem>> -> memref<128xi32, #tpu.memory_space<vmem>>
    %dma_start3A_50 = arith.constant 0 : i32
    %dma_start3A_51 = tpu.memref_slice %arg4[%dma_start3A_50] : memref<100000xf32, #tpu.memory_space<hbm>> -> memref<100000xf32, #tpu.memory_space<hbm>>
    tpu.enqueue_indirect_dma source(%dma_start3A_51 : memref<100000xf32, #tpu.memory_space<hbm>>) target(%dma_start3A_46 : memref<128xf32, #tpu.memory_space<vmem>>) offsets(%dma_start3A_49 : memref<128xi32, #tpu.memory_space<vmem>>) semaphore(%arg9 : memref<!tpu.dma_semaphore, #tpu.memory_space<semaphore_mem>>)
    %dma_start3A_52 = arith.constant 3 : i32
    %dma_start3A_53 = arith.constant 384 : i32
    %dma_start3A_54 = tpu.memref_slice %arg7[%dma_start3A_53] : memref<512xf32, #tpu.memory_space<vmem>> -> memref<128xf32, #tpu.memory_space<vmem>>
    %dma_start3A_55 = arith.constant 0 : i32
    %dma_start3A_56 = tpu.memref_slice %arg6[%dma_start3A_52, %dma_start3A_55] : memref<4x128xi32, #tpu.memory_space<vmem>> -> memref<1x128xi32, #tpu.memory_space<vmem>>
    %dma_start3A_57 = tpu.memref_squeeze %dma_start3A_56 : memref<1x128xi32, #tpu.memory_space<vmem>> -> memref<128xi32, #tpu.memory_space<vmem>>
    %dma_start3A_58 = arith.constant 0 : i32
    %dma_start3A_59 = tpu.memref_slice %arg3[%dma_start3A_58] : memref<100000xf32, #tpu.memory_space<hbm>> -> memref<100000xf32, #tpu.memory_space<hbm>>
    tpu.enqueue_indirect_dma source(%dma_start3A_59 : memref<100000xf32, #tpu.memory_space<hbm>>) target(%dma_start3A_54 : memref<128xf32, #tpu.memory_space<vmem>>) offsets(%dma_start3A_57 : memref<128xi32, #tpu.memory_space<vmem>>) semaphore(%arg9 : memref<!tpu.dma_semaphore, #tpu.memory_space<semaphore_mem>>)
    %dma_start3A_60 = arith.constant 3 : i32
    %dma_start3A_61 = arith.constant 384 : i32
    %dma_start3A_62 = tpu.memref_slice %arg8[%dma_start3A_61] : memref<512xf32, #tpu.memory_space<vmem>> -> memref<128xf32, #tpu.memory_space<vmem>>
    %dma_start3A_63 = arith.constant 0 : i32
    %dma_start3A_64 = tpu.memref_slice %arg6[%dma_start3A_60, %dma_start3A_63] : memref<4x128xi32, #tpu.memory_space<vmem>> -> memref<1x128xi32, #tpu.memory_space<vmem>>
    %dma_start3A_65 = tpu.memref_squeeze %dma_start3A_64 : memref<1x128xi32, #tpu.memory_space<vmem>> -> memref<128xi32, #tpu.memory_space<vmem>>
    %dma_start3A_66 = arith.constant 0 : i32
    %dma_start3A_67 = tpu.memref_slice %arg4[%dma_start3A_66] : memref<100000xf32, #tpu.memory_space<hbm>> -> memref<100000xf32, #tpu.memory_space<hbm>>
    tpu.enqueue_indirect_dma source(%dma_start3A_67 : memref<100000xf32, #tpu.memory_space<hbm>>) target(%dma_start3A_62 : memref<128xf32, #tpu.memory_space<vmem>>) offsets(%dma_start3A_65 : memref<128xi32, #tpu.memory_space<vmem>>) semaphore(%arg9 : memref<!tpu.dma_semaphore, #tpu.memory_space<semaphore_mem>>)
    %dma_wait3A = arith.constant 0 : i32
    %dma_wait3A_68 = arith.constant 0 : i32
    %dma_wait3A_69 = tpu.memref_slice %arg7[%dma_wait3A_68] : memref<512xf32, #tpu.memory_space<vmem>> -> memref<128xf32, #tpu.memory_space<vmem>>
    %dma_wait3A_70 = arith.constant 0 : i32
    %dma_wait3A_71 = tpu.memref_slice %arg6[%dma_wait3A, %dma_wait3A_70] : memref<4x128xi32, #tpu.memory_space<vmem>> -> memref<1x128xi32, #tpu.memory_space<vmem>>
    %dma_wait3A_72 = tpu.memref_squeeze %dma_wait3A_71 : memref<1x128xi32, #tpu.memory_space<vmem>> -> memref<128xi32, #tpu.memory_space<vmem>>
    %dma_wait3A_73 = arith.constant 0 : i32
    %dma_wait3A_74 = tpu.memref_slice %arg3[%dma_wait3A_73] : memref<100000xf32, #tpu.memory_space<hbm>> -> memref<100000xf32, #tpu.memory_space<hbm>>
    tpu.wait_indirect_dma semaphore(%arg9 : memref<!tpu.dma_semaphore, #tpu.memory_space<semaphore_mem>>) src(%dma_wait3A_74 : memref<100000xf32, #tpu.memory_space<hbm>>) dst(%dma_wait3A_69 : memref<128xf32, #tpu.memory_space<vmem>>)
    %dma_wait3A_75 = arith.constant 0 : i32
    %dma_wait3A_76 = arith.constant 0 : i32
    %dma_wait3A_77 = tpu.memref_slice %arg8[%dma_wait3A_76] : memref<512xf32, #tpu.memory_space<vmem>> -> memref<128xf32, #tpu.memory_space<vmem>>
    %dma_wait3A_78 = arith.constant 0 : i32
    %dma_wait3A_79 = tpu.memref_slice %arg6[%dma_wait3A_75, %dma_wait3A_78] : memref<4x128xi32, #tpu.memory_space<vmem>> -> memref<1x128xi32, #tpu.memory_space<vmem>>
    %dma_wait3A_80 = tpu.memref_squeeze %dma_wait3A_79 : memref<1x128xi32, #tpu.memory_space<vmem>> -> memref<128xi32, #tpu.memory_space<vmem>>
    %dma_wait3A_81 = arith.constant 0 : i32
    %dma_wait3A_82 = tpu.memref_slice %arg4[%dma_wait3A_81] : memref<100000xf32, #tpu.memory_space<hbm>> -> memref<100000xf32, #tpu.memory_space<hbm>>
    tpu.wait_indirect_dma semaphore(%arg9 : memref<!tpu.dma_semaphore, #tpu.memory_space<semaphore_mem>>) src(%dma_wait3A_82 : memref<100000xf32, #tpu.memory_space<hbm>>) dst(%dma_wait3A_77 : memref<128xf32, #tpu.memory_space<vmem>>)
    %dma_wait3A_83 = arith.constant 1 : i32
    %dma_wait3A_84 = arith.constant 128 : i32
    %dma_wait3A_85 = tpu.memref_slice %arg7[%dma_wait3A_84] : memref<512xf32, #tpu.memory_space<vmem>> -> memref<128xf32, #tpu.memory_space<vmem>>
    %dma_wait3A_86 = arith.constant 0 : i32
    %dma_wait3A_87 = tpu.memref_slice %arg6[%dma_wait3A_83, %dma_wait3A_86] : memref<4x128xi32, #tpu.memory_space<vmem>> -> memref<1x128xi32, #tpu.memory_space<vmem>>
    %dma_wait3A_88 = tpu.memref_squeeze %dma_wait3A_87 : memref<1x128xi32, #tpu.memory_space<vmem>> -> memref<128xi32, #tpu.memory_space<vmem>>
    %dma_wait3A_89 = arith.constant 0 : i32
    %dma_wait3A_90 = tpu.memref_slice %arg3[%dma_wait3A_89] : memref<100000xf32, #tpu.memory_space<hbm>> -> memref<100000xf32, #tpu.memory_space<hbm>>
    tpu.wait_indirect_dma semaphore(%arg9 : memref<!tpu.dma_semaphore, #tpu.memory_space<semaphore_mem>>) src(%dma_wait3A_90 : memref<100000xf32, #tpu.memory_space<hbm>>) dst(%dma_wait3A_85 : memref<128xf32, #tpu.memory_space<vmem>>)
    %dma_wait3A_91 = arith.constant 1 : i32
    %dma_wait3A_92 = arith.constant 128 : i32
    %dma_wait3A_93 = tpu.memref_slice %arg8[%dma_wait3A_92] : memref<512xf32, #tpu.memory_space<vmem>> -> memref<128xf32, #tpu.memory_space<vmem>>
    %dma_wait3A_94 = arith.constant 0 : i32
    %dma_wait3A_95 = tpu.memref_slice %arg6[%dma_wait3A_91, %dma_wait3A_94] : memref<4x128xi32, #tpu.memory_space<vmem>> -> memref<1x128xi32, #tpu.memory_space<vmem>>
    %dma_wait3A_96 = tpu.memref_squeeze %dma_wait3A_95 : memref<1x128xi32, #tpu.memory_space<vmem>> -> memref<128xi32, #tpu.memory_space<vmem>>
    %dma_wait3A_97 = arith.constant 0 : i32
    %dma_wait3A_98 = tpu.memref_slice %arg4[%dma_wait3A_97] : memref<100000xf32, #tpu.memory_space<hbm>> -> memref<100000xf32, #tpu.memory_space<hbm>>
    tpu.wait_indirect_dma semaphore(%arg9 : memref<!tpu.dma_semaphore, #tpu.memory_space<semaphore_mem>>) src(%dma_wait3A_98 : memref<100000xf32, #tpu.memory_space<hbm>>) dst(%dma_wait3A_93 : memref<128xf32, #tpu.memory_space<vmem>>)
    %dma_wait3A_99 = arith.constant 2 : i32
    %dma_wait3A_100 = arith.constant 256 : i32
    %dma_wait3A_101 = tpu.memref_slice %arg7[%dma_wait3A_100] : memref<512xf32, #tpu.memory_space<vmem>> -> memref<128xf32, #tpu.memory_space<vmem>>
    %dma_wait3A_102 = arith.constant 0 : i32
    %dma_wait3A_103 = tpu.memref_slice %arg6[%dma_wait3A_99, %dma_wait3A_102] : memref<4x128xi32, #tpu.memory_space<vmem>> -> memref<1x128xi32, #tpu.memory_space<vmem>>
    %dma_wait3A_104 = tpu.memref_squeeze %dma_wait3A_103 : memref<1x128xi32, #tpu.memory_space<vmem>> -> memref<128xi32, #tpu.memory_space<vmem>>
    %dma_wait3A_105 = arith.constant 0 : i32
    %dma_wait3A_106 = tpu.memref_slice %arg3[%dma_wait3A_105] : memref<100000xf32, #tpu.memory_space<hbm>> -> memref<100000xf32, #tpu.memory_space<hbm>>
    tpu.wait_indirect_dma semaphore(%arg9 : memref<!tpu.dma_semaphore, #tpu.memory_space<semaphore_mem>>) src(%dma_wait3A_106 : memref<100000xf32, #tpu.memory_space<hbm>>) dst(%dma_wait3A_101 : memref<128xf32, #tpu.memory_space<vmem>>)
    %dma_wait3A_107 = arith.constant 2 : i32
    %dma_wait3A_108 = arith.constant 256 : i32
    %dma_wait3A_109 = tpu.memref_slice %arg8[%dma_wait3A_108] : memref<512xf32, #tpu.memory_space<vmem>> -> memref<128xf32, #tpu.memory_space<vmem>>
    %dma_wait3A_110 = arith.constant 0 : i32
    %dma_wait3A_111 = tpu.memref_slice %arg6[%dma_wait3A_107, %dma_wait3A_110] : memref<4x128xi32, #tpu.memory_space<vmem>> -> memref<1x128xi32, #tpu.memory_space<vmem>>
    %dma_wait3A_112 = tpu.memref_squeeze %dma_wait3A_111 : memref<1x128xi32, #tpu.memory_space<vmem>> -> memref<128xi32, #tpu.memory_space<vmem>>
    %dma_wait3A_113 = arith.constant 0 : i32
    %dma_wait3A_114 = tpu.memref_slice %arg4[%dma_wait3A_113] : memref<100000xf32, #tpu.memory_space<hbm>> -> memref<100000xf32, #tpu.memory_space<hbm>>
    tpu.wait_indirect_dma semaphore(%arg9 : memref<!tpu.dma_semaphore, #tpu.memory_space<semaphore_mem>>) src(%dma_wait3A_114 : memref<100000xf32, #tpu.memory_space<hbm>>) dst(%dma_wait3A_109 : memref<128xf32, #tpu.memory_space<vmem>>)
    %dma_wait3A_115 = arith.constant 3 : i32
    %dma_wait3A_116 = arith.constant 384 : i32
    %dma_wait3A_117 = tpu.memref_slice %arg7[%dma_wait3A_116] : memref<512xf32, #tpu.memory_space<vmem>> -> memref<128xf32, #tpu.memory_space<vmem>>
    %dma_wait3A_118 = arith.constant 0 : i32
    %dma_wait3A_119 = tpu.memref_slice %arg6[%dma_wait3A_115, %dma_wait3A_118] : memref<4x128xi32, #tpu.memory_space<vmem>> -> memref<1x128xi32, #tpu.memory_space<vmem>>
    %dma_wait3A_120 = tpu.memref_squeeze %dma_wait3A_119 : memref<1x128xi32, #tpu.memory_space<vmem>> -> memref<128xi32, #tpu.memory_space<vmem>>
    %dma_wait3A_121 = arith.constant 0 : i32
    %dma_wait3A_122 = tpu.memref_slice %arg3[%dma_wait3A_121] : memref<100000xf32, #tpu.memory_space<hbm>> -> memref<100000xf32, #tpu.memory_space<hbm>>
    tpu.wait_indirect_dma semaphore(%arg9 : memref<!tpu.dma_semaphore, #tpu.memory_space<semaphore_mem>>) src(%dma_wait3A_122 : memref<100000xf32, #tpu.memory_space<hbm>>) dst(%dma_wait3A_117 : memref<128xf32, #tpu.memory_space<vmem>>)
    %dma_wait3A_123 = arith.constant 3 : i32
    %dma_wait3A_124 = arith.constant 384 : i32
    %dma_wait3A_125 = tpu.memref_slice %arg8[%dma_wait3A_124] : memref<512xf32, #tpu.memory_space<vmem>> -> memref<128xf32, #tpu.memory_space<vmem>>
    %dma_wait3A_126 = arith.constant 0 : i32
    %dma_wait3A_127 = tpu.memref_slice %arg6[%dma_wait3A_123, %dma_wait3A_126] : memref<4x128xi32, #tpu.memory_space<vmem>> -> memref<1x128xi32, #tpu.memory_space<vmem>>
    %dma_wait3A_128 = tpu.memref_squeeze %dma_wait3A_127 : memref<1x128xi32, #tpu.memory_space<vmem>> -> memref<128xi32, #tpu.memory_space<vmem>>
    %dma_wait3A_129 = arith.constant 0 : i32
    %dma_wait3A_130 = tpu.memref_slice %arg4[%dma_wait3A_129] : memref<100000xf32, #tpu.memory_space<hbm>> -> memref<100000xf32, #tpu.memory_space<hbm>>
    tpu.wait_indirect_dma semaphore(%arg9 : memref<!tpu.dma_semaphore, #tpu.memory_space<semaphore_mem>>) src(%dma_wait3A_130 : memref<100000xf32, #tpu.memory_space<hbm>>) dst(%dma_wait3A_125 : memref<128xf32, #tpu.memory_space<vmem>>)
    %run_scoped3A = arith.constant 0 : i32
    "tpu.region"() ({
      %run_scoped3A_132 = tpu.sem_alloc : memref<!tpu.dma_semaphore, #tpu.memory_space<semaphore_mem>>
      %dma_start3A_133 = tpu.memref_slice %arg5[%run_scoped3A, %mul3A_2] : memref<2x16384xf32, #tpu.memory_space<hbm>> -> memref<1x512xf32, #tpu.memory_space<hbm>>
      %dma_start3A_134 = tpu.memref_squeeze %dma_start3A_133 : memref<1x512xf32, #tpu.memory_space<hbm>> -> memref<512xf32, #tpu.memory_space<hbm>>
      %dma_start3A_135 = tpu.memref_slice %arg5[%run_scoped3A, %mul3A_2] : memref<2x16384xf32, #tpu.memory_space<hbm>> -> memref<1x512xf32, #tpu.memory_space<hbm>>
      %dma_start3A_136 = tpu.memref_squeeze %dma_start3A_135 : memref<1x512xf32, #tpu.memory_space<hbm>> -> memref<512xf32, #tpu.memory_space<hbm>>
      tpu.enqueue_dma source(%arg7 : memref<512xf32, #tpu.memory_space<vmem>>) target(%dma_start3A_136 : memref<512xf32, #tpu.memory_space<hbm>>) target_semaphore(%run_scoped3A_132 : memref<!tpu.dma_semaphore, #tpu.memory_space<semaphore_mem>>)
      %dma_wait3A_137 = tpu.memref_slice %arg5[%run_scoped3A, %mul3A_2] : memref<2x16384xf32, #tpu.memory_space<hbm>> -> memref<1x512xf32, #tpu.memory_space<hbm>>
      %dma_wait3A_138 = tpu.memref_squeeze %dma_wait3A_137 : memref<1x512xf32, #tpu.memory_space<hbm>> -> memref<512xf32, #tpu.memory_space<hbm>>
      %dma_wait3A_139 = tpu.memref_slice %arg5[%run_scoped3A, %mul3A_2] : memref<2x16384xf32, #tpu.memory_space<hbm>> -> memref<1x512xf32, #tpu.memory_space<hbm>>
      %dma_wait3A_140 = tpu.memref_squeeze %dma_wait3A_139 : memref<1x512xf32, #tpu.memory_space<hbm>> -> memref<512xf32, #tpu.memory_space<hbm>>
      tpu.wait_dma2 semaphore(%run_scoped3A_132 : memref<!tpu.dma_semaphore, #tpu.memory_space<semaphore_mem>>) src(%arg7 : memref<512xf32, #tpu.memory_space<vmem>>) dst(%dma_wait3A_140 : memref<512xf32, #tpu.memory_space<hbm>>)
      tpu.yield
    }) : () -> ()
    %run_scoped3A_131 = arith.constant 1 : i32
    "tpu.region"() ({
      %run_scoped3A_132 = tpu.sem_alloc : memref<!tpu.dma_semaphore, #tpu.memory_space<semaphore_mem>>
      %dma_start3A_133 = tpu.memref_slice %arg5[%run_scoped3A_131, %mul3A_2] : memref<2x16384xf32, #tpu.memory_space<hbm>> -> memref<1x512xf32, #tpu.memory_space<hbm>>
      %dma_start3A_134 = tpu.memref_squeeze %dma_start3A_133 : memref<1x512xf32, #tpu.memory_space<hbm>> -> memref<512xf32, #tpu.memory_space<hbm>>
      %dma_start3A_135 = tpu.memref_slice %arg5[%run_scoped3A_131, %mul3A_2] : memref<2x16384xf32, #tpu.memory_space<hbm>> -> memref<1x512xf32, #tpu.memory_space<hbm>>
      %dma_start3A_136 = tpu.memref_squeeze %dma_start3A_135 : memref<1x512xf32, #tpu.memory_space<hbm>> -> memref<512xf32, #tpu.memory_space<hbm>>
      tpu.enqueue_dma source(%arg8 : memref<512xf32, #tpu.memory_space<vmem>>) target(%dma_start3A_136 : memref<512xf32, #tpu.memory_space<hbm>>) target_semaphore(%run_scoped3A_132 : memref<!tpu.dma_semaphore, #tpu.memory_space<semaphore_mem>>)
      %dma_wait3A_137 = tpu.memref_slice %arg5[%run_scoped3A_131, %mul3A_2] : memref<2x16384xf32, #tpu.memory_space<hbm>> -> memref<1x512xf32, #tpu.memory_space<hbm>>
      %dma_wait3A_138 = tpu.memref_squeeze %dma_wait3A_137 : memref<1x512xf32, #tpu.memory_space<hbm>> -> memref<512xf32, #tpu.memory_space<hbm>>
      %dma_wait3A_139 = tpu.memref_slice %arg5[%run_scoped3A_131, %mul3A_2] : memref<2x16384xf32, #tpu.memory_space<hbm>> -> memref<1x512xf32, #tpu.memory_space<hbm>>
      %dma_wait3A_140 = tpu.memref_squeeze %dma_wait3A_139 : memref<1x512xf32, #tpu.memory_space<hbm>> -> memref<512xf32, #tpu.memory_space<hbm>>
      tpu.wait_dma2 semaphore(%run_scoped3A_132 : memref<!tpu.dma_semaphore, #tpu.memory_space<semaphore_mem>>) src(%arg8 : memref<512xf32, #tpu.memory_space<vmem>>) dst(%dma_wait3A_140 : memref<512xf32, #tpu.memory_space<hbm>>)
      tpu.yield
    }) : () -> ()
    return
  }
}

module attributes {stable_mosaic.version = 14 : i64} {
  func.func @_tc_body(%arg0: i32, %arg1: memref<4096x512xf32, #tpu.memory_space<vmem>>, %arg2: memref<24x512xf32, #tpu.memory_space<vmem>>, %arg3: memref<24x1xf32, #tpu.memory_space<vmem>>, %arg4: memref<2x4096xf32, #tpu.memory_space<vmem>>, %arg5: memref<24x4096xf32, #tpu.memory_space<vmem>>, %arg6: memref<24x4096xf32, #tpu.memory_space<vmem>>) attributes {dimension_semantics = [#tpu.dimension_semantics<parallel>], iteration_bounds = array<i64: 4>, scalar_prefetch = 0 : i64, scratch_operands = 0 : i64, tpu.core_type = #tpu.core_type<tc>, window_params = [{transform_indices = @transform_0, window_bounds = array<i64: 4096, 512>}, {pipeline_mode = #tpu.pipeline_mode<synchronous>, transform_indices = @transform_1, window_bounds = array<i64: 24, 512>}, {pipeline_mode = #tpu.pipeline_mode<synchronous>, transform_indices = @transform_2, window_bounds = array<i64: 24, 1>}, {transform_indices = @transform_3, window_bounds = array<i64: 2, 4096>}, {transform_indices = @transform_4, window_bounds = array<i64: 24, 4096>}, {transform_indices = @transform_5, window_bounds = array<i64: 24, 4096>}]} {
    %get3A = arith.constant 0 : index
    %get3A_0 = arith.constant 0 : index
    %get3A_1 = vector.load %arg2[%get3A, %get3A_0] : memref<24x512xf32, #tpu.memory_space<vmem>>, vector<24x512xf32>
    %get3A_2 = arith.constant 0 : index
    %get3A_3 = arith.constant 0 : index
    %get3A_4 = vector.load %arg1[%get3A_2, %get3A_3] : memref<4096x512xf32, #tpu.memory_space<vmem>>, vector<4096x512xf32>
    %dot_general3A = arith.constant dense<0.000000e+00> : vector<24x4096xf32>
    %dot_general3A_5 = tpu.matmul %get3A_1, %get3A_4, %dot_general3A {dimension_numbers = #tpu.dot_dimension_numbers<[1], [1], [0], [0], [0, 0, 1, 0], [], []>, transpose_lhs_hint = false} : vector<24x512xf32>, vector<4096x512xf32>, vector<24x4096xf32> -> vector<24x4096xf32>
    %get3A_6 = arith.constant 0 : index
    %get3A_7 = arith.constant 0 : index
    %get3A_8 = vector.load %arg3[%get3A_6, %get3A_7] : memref<24x1xf32, #tpu.memory_space<vmem>>, vector<24x1xf32>
    %add3A = vector.broadcast %get3A_8 : vector<24x1xf32> to vector<24x4096xf32>
    %add3A_9 = arith.addf %dot_general3A_5, %add3A : vector<24x4096xf32>
    %neg3A = arith.constant 0.000000e+00 : f32
    %neg3A_10 = vector.broadcast %neg3A : f32 to vector<24x4096xf32>
    %neg3A_11 = arith.subf %neg3A_10, %add3A_9 : vector<24x4096xf32>
    %exp3A = math.exp %neg3A_11 : vector<24x4096xf32>
    %add3A_12 = arith.constant 1.000000e+00 : f32
    %add3A_13 = vector.broadcast %add3A_12 : f32 to vector<24x4096xf32>
    %add3A_14 = arith.addf %add3A_13, %exp3A : vector<24x4096xf32>
    %div3A = arith.constant 1.000000e+00 : f32
    %div3A_15 = vector.broadcast %div3A : f32 to vector<24x4096xf32>
    %div3A_16 = arith.divf %div3A_15, %add3A_14 : vector<24x4096xf32>
    %swap3A = arith.constant 0 : index
    %swap3A_17 = arith.constant 0 : index
    %swap3A_18 = vector.load %arg6[%swap3A, %swap3A_17] : memref<24x4096xf32, #tpu.memory_space<vmem>>, vector<24x4096xf32>
    tpu.vector_store %arg6[%swap3A, %swap3A_17], %div3A_16 {strides = array<i32>} : memref<24x4096xf32, #tpu.memory_space<vmem>>, vector<24x4096xf32>,
    %jit3A = arith.constant -18.420681 : f32
    %jit3A_19 = arith.constant 18.420681 : f32
    %max3A = vector.broadcast %jit3A : f32 to vector<24x4096xf32>
    %max3A_20 = arith.maximumf %max3A, %add3A_9 : vector<24x4096xf32>
    %min3A = vector.broadcast %jit3A_19 : f32 to vector<24x4096xf32>
    %min3A_21 = arith.minimumf %min3A, %max3A_20 : vector<24x4096xf32>
    %get3A_22 = arith.constant 0 : index
    %get3A_23 = arith.constant 0 : index
    %get3A_24 = vector.load %arg4[%get3A_22, %get3A_23] : memref<2x4096xf32, #tpu.memory_space<vmem>>, vector<1x4096xf32>
    %get3A_25 = arith.constant 1 : index
    %get3A_26 = arith.constant 0 : index
    %get3A_27 = vector.load %arg4[%get3A_25, %get3A_26] : memref<2x4096xf32, #tpu.memory_space<vmem>>, vector<1x4096xf32>
    %mul3A = vector.broadcast %get3A_24 : vector<1x4096xf32> to vector<24x4096xf32>
    %mul3A_28 = arith.mulf %mul3A, %min3A_21 : vector<24x4096xf32>
    %add3A_29 = vector.broadcast %get3A_27 : vector<1x4096xf32> to vector<24x4096xf32>
    %add3A_30 = arith.addf %mul3A_28, %add3A_29 : vector<24x4096xf32>
    %neg3A_31 = arith.constant 0.000000e+00 : f32
    %neg3A_32 = vector.broadcast %neg3A_31 : f32 to vector<24x4096xf32>
    %neg3A_33 = arith.subf %neg3A_32, %add3A_30 : vector<24x4096xf32>
    %exp3A_34 = math.exp %neg3A_33 : vector<24x4096xf32>
    %add3A_35 = arith.constant 1.000000e+00 : f32
    %add3A_36 = vector.broadcast %add3A_35 : f32 to vector<24x4096xf32>
    %add3A_37 = arith.addf %add3A_36, %exp3A_34 : vector<24x4096xf32>
    %div3A_38 = arith.constant 1.000000e+00 : f32
    %div3A_39 = vector.broadcast %div3A_38 : f32 to vector<24x4096xf32>
    %div3A_40 = arith.divf %div3A_39, %add3A_37 : vector<24x4096xf32>
    %swap3A_41 = arith.constant 0 : index
    %swap3A_42 = arith.constant 0 : index
    %swap3A_43 = vector.load %arg5[%swap3A_41, %swap3A_42] : memref<24x4096xf32, #tpu.memory_space<vmem>>, vector<24x4096xf32>
    tpu.vector_store %arg5[%swap3A_41, %swap3A_42], %div3A_40 {strides = array<i32>} : memref<24x4096xf32, #tpu.memory_space<vmem>>, vector<24x4096xf32>,
    return
  }
  func.func @transform_0(%arg0: i32) -> (i32, i32) {
    %c0_i32 = arith.constant 0 : i32
    %c0_i32_0 = arith.constant 0 : i32
    return %arg0, %c0_i32 : i32, i32
  }
  func.func @transform_1(%arg0: i32) -> (i32, i32) {
    %c0_i32 = arith.constant 0 : i32
    %c0_i32_0 = arith.constant 0 : i32
    %c0_i32_1 = arith.constant 0 : i32
    return %c0_i32, %c0_i32_0 : i32, i32
  }
  func.func @transform_2(%arg0: i32) -> (i32, i32) {
    %c0_i32 = arith.constant 0 : i32
    %c0_i32_0 = arith.constant 0 : i32
    %c0_i32_1 = arith.constant 0 : i32
    return %c0_i32, %c0_i32_0 : i32, i32
  }
  func.func @transform_3(%arg0: i32) -> (i32, i32) {
    %c0_i32 = arith.constant 0 : i32
    %c0_i32_0 = arith.constant 0 : i32
    return %c0_i32, %arg0 : i32, i32
  }
  func.func @transform_4(%arg0: i32) -> (i32, i32) {
    %c0_i32 = arith.constant 0 : i32
    %c0_i32_0 = arith.constant 0 : i32
    return %c0_i32, %arg0 : i32, i32
  }
  func.func @transform_5(%arg0: i32) -> (i32, i32) {
    %c0_i32 = arith.constant 0 : i32
    %c0_i32_0 = arith.constant 0 : i32
    return %c0_i32, %arg0 : i32, i32
  }
}

</mosaic_0001>

<sc_bundles>
// kernel: kernel.4.cloned.1.call-start
scs
__scs_entry_jumppad:
0x0: {  	(pc) =	sbr.rel $0x88, $3  }
0x1: {  	(tag) =	ssettag $0x0;
	lr =	simm.s32 $0x1  }
0x2: {  	[smem:$0x3F9B] =	sst lr;
	_ =	strace $0xD0000000  }
0x3: {  	_ = 	snop  }
0x4: {  	_ = 	snop  }
0x5: {  	_ = 	snop  }
0x6: {  	_ = 	snop  }
0x7: {  	_ = 	snop  }
__scs_overlays_trampoline_lowered:
0x8: {  	[smem:$0x3FAA] =	sst s0  }
0x9: {  	[smem:$0x3FAB] =	sst s1  }
0xa: {  	[smem:$0x3FAC] =	sst s2  }
0xb: {  	[smem:$0x3FAD] =	sst s3  }
0xc: {  	[smem:$0x3FAE] =	sst s4  }
0xd: {  	[smem:$0x3FAF] =	sst s5  }
0xe: {  	[smem:$0x3FB0] =	sst s6  }
0xf: {  	[smem:$0x3FB1] =	sst s7  }
0x10: {  	[smem:$0x3FB2] =	sst s8  }
0x11: {  	[smem:$0x3FB3] =	sst s9;
	s0 =	simm.s32 @!p0 $0x0  }
0x12: {  	s1 =	sld [smem:$0x3F99];
	s0 =	simm.s32 @p0 $0x1  }
0x13: {  	[smem:$0x3FB4] =	sst s0;
	s0 =	simm.s32 @!p1 $0x0  }
0x14: {  	s2 =	sld [smem:$0x3F98];
	s0 =	simm.s32 @p1 $0x1  }
0x15: {  	[smem:$0x3FB5] =	sst s0;
	s0 =	simm.s32 @!p2 $0x0  }
0x16: {  	s3 =	sld [smem:$0x3FDB];
	s0 =	simm.s32 @p2 $0x1  }
0x17: {  	s4 =	simm.s32 $0x1BF5;
	[smem:$0x3FB7] =	sst s0  }
0x18: {  	s0 =	sld [smem:$0x3F9A];
	_ =	swait.ge [sflag:s4], $0x0  }
0x19: {  	s7 =	sld [smem:$0x3F9B]  }
0x1a: {  	s8 =	sadd.s32 $0xFFFFE003, lr  }
0x1b: {  	s9 =	sadd.s32 $0xFFFFFEF7, lr;
	s5 =	simm.s32 $0xFFFFFFFF;
	p2 =	slt.u32 s8, $0xFFFFF086  }
0x1c: {  	p1 =	slt.u32 s9, $0xF7A;
	s5 =	simm.s32 @!p2 $0x0  }
0x1d: {  	s5 =	simm.s32 @p1 $0x1;
	p0 =	seq.s32 s7, s2  }
0x1e: {  	s7 =	smul.u32 @!p0 $0xF7A, s2;
	p2 =	seq.s32 @!p0 s5, $0x0  }
0x1f: {  	s9 =	smul.u32 $0xF7A, s1;
	s8 =	simm.s32 @!p0 $0x1BF5;
	p2 =	por !p2, p0  }
0x20: {  	[sflag:s8] =	ssyncset.s32 @!p0 $0xFFFFF086;
	s6 =	sadd.s32 @!p0 s3, s7;
	s7 =	simm.s32 @!p0 $0x108  }
0x21: {  	s3 =	sadd.s32 s3, s9;
	s6 =	sadd.s32 @!p0 $0x88, s6;
	s7 =	simm.s32 @p2 $0x1082  }
0x22: {  	[simem:s7], [sflag:s8] =	dma.local @!p0 [hbm:s6], $0xF7A  }
0x23: {  	s9 =	sor.u32 $0xD0000000, s2;
	s6 =	simm.s32 $0x108;
	_ =	swait.ge @!p0 [sflag:s8], $0x0  }
0x24: {  	s3 =	sadd.s32 $0x88, s3;
	s6 =	simm.s32 @!p1 $0x1082;
	[sflag:s4] =	ssyncset.s32 $0xFFFFF086  }
0x25: {  	[simem:s6], [sflag:s4] =	dma.local [hbm:s3], $0xF7A  }
0x26: {  	[smem:$0x3F9B] =	sst s1;
	(tag) =	ssettag s2;
	_ =	strace s9  }
0x27: {  	s1 =	sld [smem:$0x3FAB]  }
0x28: {  	s2 =	sld [smem:$0x3FAC]  }
0x29: {  	s4 =	sld [smem:$0x3FAE]  }
0x2a: {  	p0 =	seq.s32 s5, $0x0;
	s5 =	sld [smem:$0x3FAF]  }
0x2b: {  	s6 =	sld [smem:$0x3FB0]  }
0x2c: {  	s7 =	sld [smem:$0x3FB1]  }
0x2d: {  	s3 =	simm.s32 $0x108;
	s8 =	sld [smem:$0x3FB2]  }
0x2e: {  	s3 =	simm.s32 @!p0 $0x1082;
	s9 =	sld [smem:$0x3FB3]  }
0x2f: {  	lr =	sadd.s32 s0, s3;
	s0 =	sld [smem:$0x3FAA]  }
0x30: {  	s3 =	sld [smem:$0x3FAD]  }
0x31: {  	[smem:$0x3FB6] =	sst s10  }
0x32: {  	s10 =	sld [smem:$0x3FB4];
	_ =	sdelay $0x3  }
0x33: {  	p0 =	seq.s32 s10, $0x1;
	s10 =	sld [smem:$0x3FB6];
	_ =	sdelay $0x3  }
0x34: {  	[smem:$0x3FB6] =	sst s10  }
0x35: {  	s10 =	sld [smem:$0x3FB5];
	_ =	sdelay $0x3  }
0x36: {  	p1 =	seq.s32 s10, $0x1;
	s10 =	sld [smem:$0x3FB6];
	_ =	sdelay $0x3  }
0x37: {  	[smem:$0x3FB6] =	sst s10  }
0x38: {  	s10 =	sld [smem:$0x3FB7]  }
0x39: {  	_ = 	snop;
	(pc) =	sbr.ind lr, $3  }
0x3a: {  	_ = 	snop  }
0x3b: {  	_ = 	snop  }
0x3c: {  	p2 =	seq.s32 s10, $0x1;
	s10 =	sld [smem:$0x3FB6]  }
0x3d: {  	_ =	shalt  }
0x3e: {  	_ =	shalt  }
0x3f: {  	_ =	shalt  }
0x40: {  	_ =	shalt  }
0x41: {  	_ =	shalt  }
0x42: {  	_ =	shalt  }
0x43: {  	_ =	shalt  }
0x44: {  	_ =	shalt  }
0x45: {  	_ =	shalt  }
0x46: {  	_ =	shalt  }
0x47: {  	_ =	shalt  }
0x48: {  	_ =	shalt  }
0x49: {  	_ =	shalt  }
0x4a: {  	_ =	shalt  }
0x4b: {  	_ =	shalt  }
0x4c: {  	_ =	shalt  }
0x4d: {  	_ =	shalt  }
0x4e: {  	_ =	shalt  }
0x4f: {  	_ =	shalt  }
0x50: {  	_ =	shalt  }
0x51: {  	_ =	shalt  }
0x52: {  	_ =	shalt  }
0x53: {  	_ =	shalt  }
0x54: {  	_ =	shalt  }
0x55: {  	_ =	shalt  }
0x56: {  	_ =	shalt  }
0x57: {  	_ =	shalt  }
0x58: {  	_ =	shalt  }
0x59: {  	_ =	shalt  }
0x5a: {  	_ =	shalt  }
0x5b: {  	_ =	shalt  }
0x5c: {  	_ =	shalt  }
0x5d: {  	_ =	shalt  }
0x5e: {  	_ =	shalt  }
0x5f: {  	_ =	shalt  }
0x60: {  	_ =	shalt  }
0x61: {  	_ =	shalt  }
0x62: {  	_ =	shalt  }
0x63: {  	_ =	shalt  }
0x64: {  	_ =	shalt  }
0x65: {  	_ =	shalt  }
0x66: {  	_ =	shalt  }
0x67: {  	_ =	shalt  }
0x68: {  	_ =	shalt  }
0x69: {  	_ =	shalt  }
0x6a: {  	_ =	shalt  }
0x6b: {  	_ =	shalt  }
0x6c: {  	_ =	shalt  }
0x6d: {  	_ =	shalt  }
0x6e: {  	_ =	shalt  }
0x6f: {  	_ =	shalt  }
0x70: {  	_ =	shalt  }
0x71: {  	_ =	shalt  }
0x72: {  	_ =	shalt  }
0x73: {  	_ =	shalt  }
0x74: {  	_ =	shalt  }
0x75: {  	_ =	shalt  }
0x76: {  	_ =	shalt  }
0x77: {  	_ =	shalt  }
0x78: {  	_ =	shalt  }
0x79: {  	_ =	shalt  }
0x7a: {  	_ =	shalt  }
0x7b: {  	_ =	shalt  }
0x7c: {  	_ =	shalt  }
0x7d: {  	_ =	shalt  }
0x7e: {  	_ =	shalt  }
0x7f: {  	_ =	shalt  }
0x80: {  	_ =	shalt  }
0x81: {  	_ =	shalt  }
0x82: {  	_ =	shalt  }
0x83: {  	_ =	shalt  }
0x84: {  	_ =	shalt  }
0x85: {  	_ =	shalt  }
0x86: {  	_ =	shalt  }
0x87: {  	_ =	shalt  }
.Lfunc_end0:
.L_simem_size_0:
called_computation_lowered:
.L_overlay_start_0:
0x88: {  	s2 =	sld [smem:$0x3FD9]  }
0x89: {  	s3 =	sld [smem:$0x3FFE];
	_ =	sdelay $0x1  }
0x8a: {  	s1 =	srdreg.scid  }
0x8b: {  	s0 =	sand.u32 $0x1, s1  }
0x8c: {  	s15 =	sshll.u32 s0, $0xA;
	s2 =	sadd.s32 s3, s2  }
0x8d: {  	s2 =	sadd.s32 s2, s15  }
0x8e: {  	[smem:$0x3FC2] =	sst s2  }
0x8f: {  	_ = 	snop  }
0x90: {  	s2 =	sld [smem:$0x3FD0]  }
0x91: {  	s16 =	sld [smem:$0x3FC8]  }
0x92: {  	s4 =	sld [smem:$0x3FC5]  }
0x93: {  	s6 =	simm.s32 $0xA;
	s7 =	simm.s32 $0x10;
	s5 =	sld [smem:$0x3FC4]  }
0x94: {  	[smem:s7], [sflag:s6] =	dma.local [hbm:s2], $0x1  }
0x95: {  	_ =	swait.eq [sflag:s6], $0x1  }
0x96: {  	[sflag:s6] =	ssyncset.done $0x0  }
0x97: {  	[sflag:s6] =	ssyncadd.s32 $0xFFFFFFFF  }
0x98: {  	s17 =	sld [smem:$0x11];
	(tm) =	ssettm $0x1  }
0x99: {  	s18 =	sld [smem:$0x3FFB];
	_ =	sdelay $0x3  }
0x9a: {  	_ =	strace s18  }
0x9b: {  	s6 =	sld [smem:$0x3FFC];
	_ =	sdelay $0x3  }
0x9c: {  	_ =	strace s6  }
0x9d: {  	s6 =	sld [smem:$0x3FFD];
	_ =	sdelay $0x3  }
0x9e: {  	_ =	strace s6  }
0x9f: {  	_ =	strace $0x8FFFFFFF  }
0xa0: {  	s19 =	sld [smem:$0x3FDB];
	_ =	sdelay $0x1  }
0xa1: {  	s20 =	simm.s32 $_scs_section_size  }
0xa2: {  	s8 =	simm.s32 $_size__tile_overlayer_lowered;
	s9 =	simm.s32 $_tile_overlayer_lowered  }
0xa3: {  	s23 =	simm.s32 $0x1BFF;
	s22 =	sshll.u32 s9, $0x1;
	s6 =	sadd.s32 s20, s19  }
0xa4: {  	s10 =	simm.s32 $0x0;
	s21 =	sshll.u32 s8, $0x1;
	s8 =	sadd.s32 s22, s6  }
0xa5: {  	[timem:s10], [sflag:s23] =	dma.local [hbm:s8], s21  }
0xa6: {  	_ =	swait.ge [sflag:s23], s21  }
0xa7: {  	s7 =	ssub.s32 $0x0, s21;
	[sflag:s23] =	ssyncset.done $0x0  }
0xa8: {  	[sflag:s23] =	ssyncadd.s32 s7;
	_ =	sdelay $0x1  }
0xa9: {  	s24 =	simm.s32 $0x1B8B  }
0xaa: {  	_ =	swait.ge [sflag:s24], $0x1  }
0xab: {  	[sflag:s24] =	ssyncset.done $0x0  }
0xac: {  	s25 =	simm.s32 $0x1B8E;
	[sflag:s24] =	ssyncadd.s32 $0xFFFFFFFF  }
0xad: {  	s26 =	simm.s32 $execute0_lowered;
	[smem:$0x3FD2] =	sst s25  }
0xae: {  	s7 =	sshll.u32 s26, $0x1;
	_ =	strace $0x80000046;
	[dreg:$0x1] =	wrdreg $0xFFFFFFFF  }
0xaf: {  	s28 =	simm.s32 $_size_execute0_lowered;
	s6 =	sadd.s32 s6, s7;
	[dreg:$0x0] =	wrdreg $0x0  }
0xb0: {  	s7 =	sshll.u32 s28, $0x1;
	[dreg:$0x2] =	wrdreg s6  }
0xb1: {  	[dreg:$0x3] =	wrdreg s7  }
0xb2: {  	[dreg:$0x4] =	wrdreg $0xC0  }
0xb3: {  	_ =	task [dreg:s10], $0x5FFFF  }
0xb4: {  	[dreg:$0x1] =	wrdreg $0xFFFFFFFF  }
0xb5: {  	[dreg:$0x0] =	wrdreg $0x60  }
0xb6: {  	[dreg:$0x2] =	wrdreg s16  }
0xb7: {  	[dreg:$0x3] =	wrdreg s4  }
0xb8: {  	[dreg:$0x4] =	wrdreg s5  }
0xb9: {  	[dreg:$0x5] =	wrdreg s17  }
0xba: {  	[dreg:$0x6] =	wrdreg $0x9  }
0xbb: {  	_ =	task.clear_ibuf [dreg:s10], $0x7FFFF;
	_ =	strace $0x90000046  }
0xbc: {  	s29 =	simm.s32 $0x9;
	_ =	strace $0x80000048  }
0xbd: {  	_ =	swait.ge [sflag:s29], $0x1  }
0xbe: {  	[sflag:s29] =	ssyncadd.s32 $0xFFFFFFFF  }
0xbf: {  	_ =	strace $0x90000048  }
0xc0: {  	_ =	sfence  }
0xc1: {  	s30 =	sld [smem:$0x0];
	_ =	sdelay $0x2  }
0xc2: {  	s31 =	sshll.u32 s1, $0xD;
	s1 =	sshrl.u32 s1, $0x2  }
0xc3: {  	s3 =	sand.u32 $0x4000, s31;
	s1 =	sadd.s32 s1, s30  }
0xc4: {  	s0 =	sor.u32 s3, s0;
	s1 =	sshll.u32 s1, $0x11  }
0xc5: {  	s0 =	sor.u32 s1, s0  }
0xc6: {  	s0 =	sadd.s32 $0x8F2B, s0  }
0xc7: {  	[sflag:s0] =	ssyncadd.remote.s32 $0x1  }
0xc8: {  	_ =	sfence.sel $0xFFFF  }
0xc9: {  	[dreg:$0x0] =	wrdreg $0xFFFFFFFF;
	(pc) =	sbr.abs _section_cstart, $3  }
0xca: {  	[dreg:$0x1] =	wrdreg $0xFFFFFFFF  }
0xcb: {  	_ =	task.clear_ibuf [dreg:s10], $0x2FFFF;
	_ =	strace $0x9FFFFFFF  }
0xcc: {  	(tm) =	ssettm $0x7FFFFFFF  }
0xcd: {  	_ =	shalt  }
tec
execute0_lowered:
.L_overlay_start_1:
0x0: {  	(tag) =	ssettag $0x1  }
0x1: {  	s5 =	rddreg [dreg:$0x0]  }
0x2: {  	s1 =	rddreg [dreg:$0x1]  }
0x3: {  	s2 =	rddreg [dreg:$0x2]  }
0x4: {  	s19 =	rddreg [dreg:$0x3];
	s3 =	srdreg.scid  }
0x5: {  	s0 =	rddreg [dreg:$0x4];
	s20 =	sand.u32 $0x1, s3  }
0x6: {  	s4 =	simm.s32 $0x0;
	s3 =	stileid.u32;
	s6 =	sshll.u32 s20, $0x6  }
0x7: {  	[smem:$0x7FF] =	sst s4;
	s7 =	sshll.u32 s3, $0x7;
	s5 =	sadd.s32 s5, s6  }
0x8: {  	_ =	strace $0x80000047;
	s6 =	sadd.s32 s7, s5;
	s5 =	simm.s32 $0x2  }
0x9: {  	[tilespmem:s4], [sflag:$0x2] =	stream.linear.gather [hbm4b:s6+s4], $0x200, $0x38;
	[tilespmem:$0x600] =	vst v63  }
0xa: {  	_ =	swait.ge [sflag:s5], $0x200  }
0xb: {  	[sflag:s5] =	ssyncset.done $0x0  }
0xc: {  	s8 =	simm.s32 $0x200;
	s7 =	simm.s32 $0x80;
	[sflag:s5] =	ssyncadd.s32 $0xFFFFFE00  }
0xd: {  	[tilespmem:s8], [sflag:$0x1] =	stream.indirect.gather [hbm4b:s1+s7], $0x1, s4, s7, $0xb8;
	[tilespmem:$0x600] =	vst v63  }
0xe: {  	s9 =	simm.s32 $0x400  }
0xf: {  	[tilespmem:s9], [sflag:$0x1] =	stream.indirect.gather [hbm4b:s2+s7], $0x1, s4, s7, $0xb8;
	[tilespmem:$0x600] =	vst v63  }
0x10: {  	s10 =	simm.s32 $0x280  }
0x11: {  	[tilespmem:s10], [sflag:$0x1] =	stream.indirect.gather [hbm4b:s1+s7], $0x1, s7, s7, $0xb8;
	[tilespmem:$0x600] =	vst v63  }
0x12: {  	s11 =	simm.s32 $0x480  }
0x13: {  	[tilespmem:s11], [sflag:$0x1] =	stream.indirect.gather [hbm4b:s2+s7], $0x1, s7, s7, $0xb8;
	[tilespmem:$0x600] =	vst v63  }
0x14: {  	s12 =	simm.s32 $0x100;
	s13 =	simm.s32 $0x300  }
0x15: {  	[tilespmem:s13], [sflag:$0x1] =	stream.indirect.gather [hbm4b:s1+s7], $0x1, s12, s7, $0xb8;
	[tilespmem:$0x600] =	vst v63  }
0x16: {  	s14 =	simm.s32 $0x500  }
0x17: {  	[tilespmem:s14], [sflag:$0x1] =	stream.indirect.gather [hbm4b:s2+s7], $0x1, s12, s7, $0xb8;
	[tilespmem:$0x600] =	vst v63  }
0x18: {  	s15 =	simm.s32 $0x180;
	s16 =	simm.s32 $0x380  }
0x19: {  	[tilespmem:s16], [sflag:$0x1] =	stream.indirect.gather [hbm4b:s1+s7], $0x1, s15, s7, $0xb8;
	[tilespmem:$0x600] =	vst v63  }
0x1a: {  	s17 =	simm.s32 $0x580;
	s18 =	simm.s32 $0x1  }
0x1b: {  	[tilespmem:s17], [sflag:$0x1] =	stream.indirect.gather [hbm4b:s2+s7], $0x1, s15, s7, $0xb8;
	[tilespmem:$0x600] =	vst v63  }
0x1c: {  	_ =	swait.ge [sflag:s18], $0x80  }
0x1d: {  	[sflag:s18] =	ssyncset.done $0x0  }
0x1e: {  	[sflag:s18] =	ssyncadd.s32 $0xFFFFFF80  }
0x1f: {  	_ =	swait.ge [sflag:s18], $0x80  }
0x20: {  	[sflag:s18] =	ssyncset.done $0x0  }
0x21: {  	[sflag:s18] =	ssyncadd.s32 $0xFFFFFF80  }
0x22: {  	_ =	swait.ge [sflag:s18], $0x80  }
0x23: {  	[sflag:s18] =	ssyncset.done $0x0  }
0x24: {  	[sflag:s18] =	ssyncadd.s32 $0xFFFFFF80  }
0x25: {  	_ =	swait.ge [sflag:s18], $0x80  }
0x26: {  	[sflag:s18] =	ssyncset.done $0x0  }
0x27: {  	[sflag:s18] =	ssyncadd.s32 $0xFFFFFF80  }
0x28: {  	_ =	swait.ge [sflag:s18], $0x80  }
0x29: {  	[sflag:s18] =	ssyncset.done $0x0  }
0x2a: {  	[sflag:s18] =	ssyncadd.s32 $0xFFFFFF80  }
0x2b: {  	_ =	swait.ge [sflag:s18], $0x80  }
0x2c: {  	[sflag:s18] =	ssyncset.done $0x0  }
0x2d: {  	[sflag:s18] =	ssyncadd.s32 $0xFFFFFF80  }
0x2e: {  	_ =	swait.ge [sflag:s18], $0x80  }
0x2f: {  	s21 =	sshll.u32 s3, $0x8;
	[sflag:s18] =	ssyncset.done $0x0  }
0x30: {  	s22 =	sshll.u32 s20, $0x7;
	s20 =	ssub.s32 $0x2, s20;
	[sflag:s18] =	ssyncadd.s32 $0xFFFFFF80  }
0x31: {  	s21 =	sor.u32 s22, s21;
	s31 =	sshrl.u32 s20, $0x1;
	_ =	swait.ge [sflag:s18], $0x80  }
0x32: {  	s19 =	sadd.s32 s19, s21;
	s21 =	ssub.s32 s20, s31;
	[sflag:s18] =	ssyncset.done $0x0  }
0x33: {  	s21 =	smax.u32 s21, $0x1;
	[sflag:s18] =	ssyncadd.s32 $0xFFFFFF80  }
0x34: {  	[hbm4b:s19+s7] =	stream.strided.scatter [tilespmem:s8], [sflag:$0x2], $0x200, s12, s7, $0x38;
	[tilespmem:$0x600] =	vst v63  }
0x35: {  	p0 =	sne.s32 s21, $0x1;
	_ =	swait.ge [sflag:s5], $0x200  }
.Ltmp0:
0x36: {  	[sflag:s5] =	ssyncset.done $0x0;
	(pc) =	sbr.rel @!p0 .LBB2_2-.Ltmp0, $4  }
0x37: {  	s20 =	sadd.s32 $0x10, s19;
	[sflag:s5] =	ssyncadd.s32 $0xFFFFFE00  }
0x38: {  	[hbm4b:s20+s7] =	stream.strided.scatter [tilespmem:s9], [sflag:$0x2], $0x200, s12, s7, $0x38;
	[tilespmem:$0x600] =	vst v63  }
0x39: {  	_ =	swait.ge [sflag:s5], $0x200  }
0x3a: {  	s21 =	sadd.s32 $0xFFFFFFFF, s21;
	[sflag:s5] =	ssyncset.done $0x0  }
.LBB2_1:
0x3b: {  	p0 =	sne.s32 s21, $0x1;
	s21 =	sadd.s32 $0xFFFFFFFF, s21;
	[sflag:s5] =	ssyncadd.s32 $0xFFFFFE00  }
0x3c: {  	[tilespmem:s4], [sflag:$0x2] =	stream.linear.gather [hbm4b:s6+s4], $0x200, $0x38;
	[tilespmem:$0x600] =	vst v63  }
0x3d: {  	_ =	swait.ge [sflag:s5], $0x200  }
0x3e: {  	[sflag:s5] =	ssyncset.done $0x0  }
0x3f: {  	[sflag:s5] =	ssyncadd.s32 $0xFFFFFE00  }
0x40: {  	[tilespmem:s8], [sflag:$0x1] =	stream.indirect.gather [hbm4b:s1+s7], $0x1, s4, s7, $0xb8;
	[tilespmem:$0x600] =	vst v63  }
0x41: {  	_ = 	snop  }
0x42: {  	[tilespmem:s9], [sflag:$0x1] =	stream.indirect.gather [hbm4b:s2+s7], $0x1, s4, s7, $0xb8;
	[tilespmem:$0x600] =	vst v63  }
0x43: {  	_ = 	snop  }
0x44: {  	[tilespmem:s10], [sflag:$0x1] =	stream.indirect.gather [hbm4b:s1+s7], $0x1, s7, s7, $0xb8;
	[tilespmem:$0x600] =	vst v63  }
0x45: {  	_ = 	snop  }
0x46: {  	[tilespmem:s11], [sflag:$0x1] =	stream.indirect.gather [hbm4b:s2+s7], $0x1, s7, s7, $0xb8;
	[tilespmem:$0x600] =	vst v63  }
0x47: {  	_ = 	snop  }
0x48: {  	[tilespmem:s13], [sflag:$0x1] =	stream.indirect.gather [hbm4b:s1+s7], $0x1, s12, s7, $0xb8;
	[tilespmem:$0x600] =	vst v63  }
0x49: {  	_ = 	snop  }
0x4a: {  	[tilespmem:s14], [sflag:$0x1] =	stream.indirect.gather [hbm4b:s2+s7], $0x1, s12, s7, $0xb8;
	[tilespmem:$0x600] =	vst v63  }
0x4b: {  	_ = 	snop  }
0x4c: {  	[tilespmem:s16], [sflag:$0x1] =	stream.indirect.gather [hbm4b:s1+s7], $0x1, s15, s7, $0xb8;
	[tilespmem:$0x600] =	vst v63  }
0x4d: {  	_ = 	snop  }
0x4e: {  	[tilespmem:s17], [sflag:$0x1] =	stream.indirect.gather [hbm4b:s2+s7], $0x1, s15, s7, $0xb8;
	[tilespmem:$0x600] =	vst v63  }
0x4f: {  	_ =	swait.ge [sflag:s18], $0x80  }
0x50: {  	[sflag:s18] =	ssyncset.done $0x0  }
0x51: {  	[sflag:s18] =	ssyncadd.s32 $0xFFFFFF80  }
0x52: {  	_ =	swait.ge [sflag:s18], $0x80  }
0x53: {  	[sflag:s18] =	ssyncset.done $0x0  }
0x54: {  	[sflag:s18] =	ssyncadd.s32 $0xFFFFFF80  }
0x55: {  	_ =	swait.ge [sflag:s18], $0x80  }
0x56: {  	[sflag:s18] =	ssyncset.done $0x0  }
0x57: {  	[sflag:s18] =	ssyncadd.s32 $0xFFFFFF80  }
0x58: {  	_ =	swait.ge [sflag:s18], $0x80  }
0x59: {  	[sflag:s18] =	ssyncset.done $0x0  }
0x5a: {  	[sflag:s18] =	ssyncadd.s32 $0xFFFFFF80  }
0x5b: {  	_ =	swait.ge [sflag:s18], $0x80  }
0x5c: {  	[sflag:s18] =	ssyncset.done $0x0  }
0x5d: {  	[sflag:s18] =	ssyncadd.s32 $0xFFFFFF80  }
0x5e: {  	_ =	swait.ge [sflag:s18], $0x80  }
0x5f: {  	[sflag:s18] =	ssyncset.done $0x0  }
0x60: {  	[sflag:s18] =	ssyncadd.s32 $0xFFFFFF80  }
0x61: {  	_ =	swait.ge [sflag:s18], $0x80  }
0x62: {  	[sflag:s18] =	ssyncset.done $0x0  }
0x63: {  	[sflag:s18] =	ssyncadd.s32 $0xFFFFFF80  }
0x64: {  	_ =	swait.ge [sflag:s18], $0x80  }
0x65: {  	[sflag:s18] =	ssyncset.done $0x0  }
0x66: {  	[sflag:s18] =	ssyncadd.s32 $0xFFFFFF80  }
0x67: {  	[hbm4b:s19+s7] =	stream.strided.scatter [tilespmem:s8], [sflag:$0x2], $0x200, s12, s7, $0x38;
	[tilespmem:$0x600] =	vst v63  }
0x68: {  	_ =	swait.ge [sflag:s5], $0x200  }
.Ltmp1:
0x69: {  	[sflag:s5] =	ssyncset.done $0x0;
	(pc) =	sbr.rel @p0 .LBB2_1-.Ltmp1, $4  }
0x6a: {  	[sflag:s5] =	ssyncadd.s32 $0xFFFFFE00  }
0x6b: {  	[hbm4b:s20+s7] =	stream.strided.scatter [tilespmem:s9], [sflag:$0x2], $0x200, s12, s7, $0x38;
	[tilespmem:$0x600] =	vst v63  }
0x6c: {  	_ =	swait.ge [sflag:s5], $0x200  }
0x6d: {  	[sflag:s5] =	ssyncset.done $0x0  }
.LBB2_2:
0x6e: {  	[sflag:s5] =	ssyncadd.s32 $0xFFFFFE00  }
0x6f: {  	_ =	sfence.sel $0x180000  }
0x70: {  	[bflag:$0x0] =	sbarrier.arrive $0xFFFF  }
0x71: {  	p0 =	sne.s32 s3, $0x0;
	_ =	strace $0x90000047  }
0x72: {  	s0 =	sadd.s32 @!p0 $0x100000, s0;
	[bflag:$0x2] =	sbarrier.arrive $0xFFFF  }
0x73: {  	[sflag:s0] =	ssyncadd.tile.s32 @!p0 $0x1;
	_ =	shalt  }
.Lfunc_end2:
_tile_overlayer_lowered:
.L_overlay_start_2:
0x74: {  	(tag) =	ssettag $0x2  }
0x75: {  	s0 =	rddreg [dreg:$0x0];
	s2 =	stileid.u32  }
0x76: {  	s1 =	rddreg [dreg:$0x1];
	p0 =	sne.s32 s2, $0x0  }
0x77: {  	s3 =	rddreg [dreg:$0x2];
	[bflag:$0x3] =	sbarrier.arrive $0xFFFF;
	s2 =	simm.s32 @!p0 $0x1C02  }
0x78: {  	[timem:s3], [sflag:s2] =	dma.local @!p0 [hbm:s0], s1  }
0x79: {  	s0 =	simm.s32 @!p0 $0x2  }
0x7a: {  	_ =	swait.ge @!p0 [sflag:s0], s1  }
0x7b: {  	s1 =	ssub.s32 @!p0 $0x0, s1;
	[sflag:s0] =	ssyncset.done @!p0 $0x0  }
0x7c: {  	[sflag:s0] =	ssyncadd.s32 @!p0 s1  }
0x7d: {  	[bflag:$0x3] =	sbarrier.arrive $0xFFFF  }
0x7e: {  	_ =	shalt  }

</sc_bundles>
